<compile_context>
chip_gen: v7x
topology: tpu7x:2x2x1
jax: 0.10.2.dev20260603
libtpu: 0.0.44.dev20260713+nightly
codegen_flags: <defaults>
</compile_context>

<pallas_src>
import functools

import jax
import jax.numpy as jnp
from jax.experimental import pallas as pl
from jax.experimental.pallas import tpu as pltpu

_N = 20000
_K = 4096
_B = 128
_NBLK = _K // _B
_POST = 100
_OUT_ROWS = 104
_NMS_T = 0.7
_SCORE_T = 0.05
_IMG = 1024.0


def _colify(v):
  return jnp.broadcast_to(v, (_B, _B)).T


def _pair_suppress(ax1, ay1, ax2, ay2, aarea, bx1, by1, bx2, by2, barea):
  cx1 = _colify(ax1)
  cy1 = _colify(ay1)
  cx2 = _colify(ax2)
  cy2 = _colify(ay2)
  carea = _colify(aarea)
  lt_x = jnp.maximum(cx1, bx1)
  lt_y = jnp.maximum(cy1, by1)
  rb_x = jnp.minimum(cx2, bx2)
  rb_y = jnp.minimum(cy2, by2)
  w = jnp.maximum(rb_x - lt_x, 0.0)
  h = jnp.maximum(rb_y - lt_y, 0.0)
  inter = w * h
  union = jnp.maximum(carea + barea - inter, 1e-8)
  return (inter > _NMS_T * union).astype(jnp.float32)


def _nms_body(x1_ref, y1_ref, x2_ref, y2_ref, s_ref, out_ref, keep_ref):
  keep_ref[...] = jnp.zeros((_NBLK, _B), jnp.float32)

  def row(ref, i):
    return ref[pl.ds(i, 1), :]

  def block_body(carry):
    i, cnt = carry
    bx1 = row(x1_ref, i)
    by1 = row(y1_ref, i)
    bx2 = row(x2_ref, i)
    by2 = row(y2_ref, i)
    bs = row(s_ref, i)
    barea = (bx2 - bx1) * (by2 - by1)

    def jbody(j, sup):
      jx1 = row(x1_ref, j)
      jy1 = row(y1_ref, j)
      jx2 = row(x2_ref, j)
      jy2 = row(y2_ref, j)
      jarea = (jx2 - jx1) * (jy2 - jy1)
      m = _pair_suppress(jx1, jy1, jx2, jy2, jarea,
                         bx1, by1, bx2, by2, barea)
      kj = _colify(row(keep_ref, j))
      return jnp.maximum(sup, jnp.max(m * kj, axis=0, keepdims=True))

    sup = jax.lax.fori_loop(0, i, jbody, jnp.zeros((1, _B), jnp.float32))

    m_ii = _pair_suppress(bx1, by1, bx2, by2, barea,
                          bx1, by1, bx2, by2, barea)
    r_idx = jax.lax.broadcasted_iota(jnp.int32, (_B, _B), 0)
    c_idx = jax.lax.broadcasted_iota(jnp.int32, (_B, _B), 1)
    m_ii = m_ii * (r_idx < c_idx).astype(jnp.float32)

    v = (bs > 0.0).astype(jnp.float32) * (1.0 - sup)

    def fix_cond(c):
      _, changed = c
      return changed

    def fix_body(c):
      k, _ = c
      kc = _colify(k)
      intra = jnp.max(m_ii * kc, axis=0, keepdims=True)
      knew = v * (1.0 - intra)
      return knew, jnp.any(knew != k)

    k, _ = jax.lax.while_loop(fix_cond, fix_body,
                              (v, jnp.bool_(True)))
    keep_ref[pl.ds(i, 1), :] = k
    return i + 1, cnt + jnp.sum(k)

  def block_cond(carry):
    i, cnt = carry
    return jnp.logical_and(i < _NBLK, cnt < float(_POST))

  jax.lax.while_loop(block_cond, block_body,
                     (jnp.int32(0), jnp.float32(0.0)))

  keep = keep_ref[...]
  nkeep = 1.0 - keep
  lt = (jax.lax.broadcasted_iota(jnp.int32, (_B, _B), 0)
        <= jax.lax.broadcasted_iota(jnp.int32, (_B, _B), 1)).astype(jnp.float32)
  slt = (jax.lax.broadcasted_iota(jnp.int32, (_NBLK, _NBLK), 0)
         > jax.lax.broadcasted_iota(jnp.int32, (_NBLK, _NBLK), 1)
         ).astype(jnp.float32)

  def full_cumsum(x):
    rowc = jax.lax.dot(x, lt)
    rowtot = jnp.sum(x, axis=1, keepdims=True)
    carry = jax.lax.dot(slt, rowtot)
    return rowc + carry

  kcum = full_cumsum(keep)
  ncum = full_cumsum(nkeep)
  total_k = jnp.sum(keep)
  rank = keep * (kcum - 1.0) + nkeep * (total_k + ncum - 1.0)

  oidx = jax.lax.broadcasted_iota(jnp.int32, (_OUT_ROWS, 1), 0).astype(
      jnp.float32)
  cols = []
  for ref in (x1_ref, y1_ref, x2_ref, y2_ref, None):
    acc = jnp.zeros((_OUT_ROWS, 1), jnp.float32)
    for r in range(_NBLK):
      rr = rank[r:r + 1, :]
      oh = (oidx == rr).astype(jnp.float32)
      if ref is None:
        val = s_ref[r:r + 1, :] * keep[r:r + 1, :]
      else:
        val = ref[r:r + 1, :]
      acc = acc + jnp.sum(oh * val, axis=1, keepdims=True)
    cols.append(acc)
  cols.append(jnp.zeros((_OUT_ROWS, 3), jnp.float32))
  out_ref[...] = jnp.concatenate(cols, axis=1)


@functools.partial(jax.jit, static_argnames=("interpret",))
def kernel(boxes, scores, interpret=False):
  boxes = jnp.clip(boxes, 0.0, _IMG)
  scores = jnp.where(scores >= _SCORE_T, scores, 0.0)
  top_scores = jax.lax.slice(scores, (0,), (_K,))
  idx = jax.lax.iota(jnp.int32, _K)
  top_boxes = jnp.take(boxes, idx, axis=0)

  coords = top_boxes.T.reshape(4, _NBLK, _B)
  s = top_scores.reshape(_NBLK, _B)

  def _probe(x1r, y1r, x2r, y2r, sr, out_ref):
    out_ref[...] = (x1r[0:1, 0:8] + y1r[0:1, 0:8] + x2r[0:1, 0:8]
                    + y2r[0:1, 0:8] + sr[0:1, 0:8]
                    ) * jnp.ones((_OUT_ROWS, 8), jnp.float32)

  out = pl.pallas_call(
      _probe,
      out_shape=jax.ShapeDtypeStruct((_OUT_ROWS, 8), jnp.float32),
      interpret=interpret,
  )(coords[0], coords[1], coords[2], coords[3], s)
  return out[:_POST, :5]

# --- scband reference (transcript-rebuilt; emitter-appended) ---
"""Pipeline reference for scband-cascade-roiheads-23811298689436 (READ-ONLY COPY).

The authoritative reference and input builder live on the scoring server;
editing this copy changes nothing except your own understanding.
"""

import jax, jax.numpy as jnp
import numpy as np

N = 20000
PRE_NMS_TOPK = 4096
POST_NMS = 100
NMS_THRESH = 0.7
SCORE_THRESH = 0.05
IMG = 1024.0


def setup_inputs(seed: int = 0):
    key = jax.random.key(seed)
    k1, k2, k3 = jax.random.split(key, 3)
    xy = jax.random.uniform(k1, (N, 2)) * IMG
    wh = jax.random.uniform(k2, (N, 2)) * 256.0 + 4.0
    boxes = jnp.concatenate([xy, xy + wh], axis=-1).astype(jnp.float32)
    scores = jax.random.uniform(k3, (N,)).astype(jnp.float32)
    return {"boxes": boxes, "scores": scores}


def pairwise_iou(a, b):
    area_a = (a[:, 2] - a[:, 0]) * (a[:, 3] - a[:, 1])
    area_b = (b[:, 2] - b[:, 0]) * (b[:, 3] - b[:, 1])
    lt = jnp.maximum(a[:, None, :2], b[None, :, :2])
    rb = jnp.minimum(a[:, None, 2:], b[None, :, 2:])
    wh = jnp.maximum(rb - lt, 0.0)
    inter = wh[..., 0] * wh[..., 1]
    union = jnp.maximum(area_a[:, None] + area_b[None, :] - inter, 1e-8)
    return inter / union


def reference(boxes, scores):
    # Clip proposals to the image, threshold scores (score_threshold=0.05)
    boxes = jnp.clip(boxes, 0.0, IMG)
    scores = jnp.where(scores >= SCORE_THRESH, scores, 0.0)
    # Pre-NMS top-k selection by score
    top_scores, idx = jax.lax.top_k(scores, PRE_NMS_TOPK)
    top_boxes = jnp.take(boxes, idx, axis=0)
    # Pairwise IoU of score-sorted candidates
    iou = pairwise_iou(top_boxes, top_boxes)
    iou_s = jax.lax.stop_gradient(iou)
    valid = jax.lax.stop_gradient(top_scores) > 0.0
    K = PRE_NMS_TOPK
    order = jnp.arange(K)

    # Exact greedy NMS: box i is kept iff no higher-scored kept box overlaps > thresh
    def body(keep, i):
        sup = jnp.any(keep & (iou_s[:, i] > NMS_THRESH) & (order < i))
        keep = keep.at[i].set(valid[i] & (~sup))
        return keep, 0

    keep, _ = jax.lax.scan(body, jnp.zeros((K,), dtype=bool), jnp.arange(K))
    # Post-NMS: keep top `post_nms_num_detections` survivors
    kept_scores = jnp.where(keep, top_scores, -1.0)
    final_scores, fidx = jax.lax.top_k(kept_scores, POST_NMS)
    final_boxes = jnp.take(top_boxes, fidx, axis=0)
    final_scores = jnp.maximum(final_scores, 0.0)
    out = jnp.concatenate([final_boxes, final_scores[:, None]], axis=-1)
    return out

if __name__ == "__main__":
    import jax
    _d = setup_inputs()
    print(jax.jit(kernel)(*tuple(_d.values())))

</pallas_src>

<mosaic_0001>
module attributes {stable_mosaic.version = 14 : i64} {
  func.func @_probe(%arg0: memref<32x128xf32, #tpu.memory_space<vmem>>, %arg1: memref<32x128xf32, #tpu.memory_space<vmem>>, %arg2: memref<32x128xf32, #tpu.memory_space<vmem>>, %arg3: memref<32x128xf32, #tpu.memory_space<vmem>>, %arg4: memref<32x128xf32, #tpu.memory_space<vmem>>, %arg5: memref<104x8xf32, #tpu.memory_space<vmem>>) attributes {dimension_semantics = [], scalar_prefetch = 0 : i64, scratch_operands = 0 : i64, tpu.core_type = #tpu.core_type<tc>} {
    %get3A = arith.constant 0 : index
    %get3A_0 = arith.constant 0 : index
    %get3A_1 = vector.load %arg0[%get3A, %get3A_0] : memref<32x128xf32, #tpu.memory_space<vmem>>, vector<1x8xf32>
    %get3A_2 = arith.constant 0 : index
    %get3A_3 = arith.constant 0 : index
    %get3A_4 = vector.load %arg1[%get3A_2, %get3A_3] : memref<32x128xf32, #tpu.memory_space<vmem>>, vector<1x8xf32>
    %add3A = arith.addf %get3A_1, %get3A_4 : vector<1x8xf32>
    %get3A_5 = arith.constant 0 : index
    %get3A_6 = arith.constant 0 : index
    %get3A_7 = vector.load %arg2[%get3A_5, %get3A_6] : memref<32x128xf32, #tpu.memory_space<vmem>>, vector<1x8xf32>
    %add3A_8 = arith.addf %add3A, %get3A_7 : vector<1x8xf32>
    %get3A_9 = arith.constant 0 : index
    %get3A_10 = arith.constant 0 : index
    %get3A_11 = vector.load %arg3[%get3A_9, %get3A_10] : memref<32x128xf32, #tpu.memory_space<vmem>>, vector<1x8xf32>
    %add3A_12 = arith.addf %add3A_8, %get3A_11 : vector<1x8xf32>
    %get3A_13 = arith.constant 0 : index
    %get3A_14 = arith.constant 0 : index
    %get3A_15 = vector.load %arg4[%get3A_13, %get3A_14] : memref<32x128xf32, #tpu.memory_space<vmem>>, vector<1x8xf32>
    %add3A_16 = arith.addf %add3A_12, %get3A_15 : vector<1x8xf32>
    %broadcast_in_dim3A = arith.constant 1.000000e+00 : f32
    %broadcast_in_dim3A_17 = vector.broadcast %broadcast_in_dim3A : f32 to vector<104x8xf32>
    %mul3A = vector.broadcast %add3A_16 : vector<1x8xf32> to vector<104x8xf32>
    %mul3A_18 = arith.mulf %mul3A, %broadcast_in_dim3A_17 : vector<104x8xf32>
    %swap3A = arith.constant 0 : index
    %swap3A_19 = arith.constant 0 : index
    %swap3A_20 = vector.load %arg5[%swap3A, %swap3A_19] : memref<104x8xf32, #tpu.memory_space<vmem>>, vector<104x8xf32>
    tpu.vector_store %arg5[%swap3A, %swap3A_19], %mul3A_18 {strides = array<i32>} : memref<104x8xf32, #tpu.memory_space<vmem>>, vector<104x8xf32>,
    return
  }
}

</mosaic_0001>

<sc_bundles>
// kernel: gather_offload_async_start
scs
__scs_entry_jumppad:
0x0: {  	(pc) =	sbr.rel $0x88, $3  }
0x1: {  	(tag) =	ssettag $0x0;
	lr =	simm.s32 $0x1  }
0x2: {  	[smem:$0x3F9F] =	sst lr;
	_ =	strace $0xD0000000  }
0x3: {  	_ = 	snop  }
0x4: {  	_ = 	snop  }
0x5: {  	_ = 	snop  }
0x6: {  	_ = 	snop  }
0x7: {  	_ = 	snop  }
__scs_overlays_trampoline_lowered:
0x8: {  	[smem:$0x3FAE] =	sst s0  }
0x9: {  	[smem:$0x3FAF] =	sst s1  }
0xa: {  	[smem:$0x3FB0] =	sst s2  }
0xb: {  	[smem:$0x3FB1] =	sst s3  }
0xc: {  	[smem:$0x3FB2] =	sst s4  }
0xd: {  	[smem:$0x3FB3] =	sst s5  }
0xe: {  	[smem:$0x3FB4] =	sst s6  }
0xf: {  	[smem:$0x3FB5] =	sst s7  }
0x10: {  	[smem:$0x3FB6] =	sst s8  }
0x11: {  	[smem:$0x3FB7] =	sst s9;
	s0 =	simm.s32 @!p0 $0x0  }
0x12: {  	s1 =	sld [smem:$0x3F9D];
	s0 =	simm.s32 @p0 $0x1  }
0x13: {  	[smem:$0x3FB8] =	sst s0;
	s0 =	simm.s32 @!p1 $0x0  }
0x14: {  	s2 =	sld [smem:$0x3F9C];
	s0 =	simm.s32 @p1 $0x1  }
0x15: {  	[smem:$0x3FB9] =	sst s0;
	s0 =	simm.s32 @!p2 $0x0  }
0x16: {  	s3 =	sld [smem:$0x3FDB];
	s0 =	simm.s32 @p2 $0x1  }
0x17: {  	s4 =	simm.s32 $0x1BF5;
	[smem:$0x3FBB] =	sst s0  }
0x18: {  	s0 =	sld [smem:$0x3F9E];
	_ =	swait.ge [sflag:s4], $0x0  }
0x19: {  	s7 =	sld [smem:$0x3F9F]  }
0x1a: {  	s8 =	sadd.s32 $0xFFFFE003, lr  }
0x1b: {  	s9 =	sadd.s32 $0xFFFFFEF7, lr;
	s5 =	simm.s32 $0xFFFFFFFF;
	p2 =	slt.u32 s8, $0xFFFFF086  }
0x1c: {  	p1 =	slt.u32 s9, $0xF7A;
	s5 =	simm.s32 @!p2 $0x0  }
0x1d: {  	s5 =	simm.s32 @p1 $0x1;
	p0 =	seq.s32 s7, s2  }
0x1e: {  	s7 =	smul.u32 @!p0 $0xF7A, s2;
	p2 =	seq.s32 @!p0 s5, $0x0  }
0x1f: {  	s9 =	smul.u32 $0xF7A, s1;
	s8 =	simm.s32 @!p0 $0x1BF5;
	p2 =	por !p2, p0  }
0x20: {  	[sflag:s8] =	ssyncset.s32 @!p0 $0xFFFFF086;
	s6 =	sadd.s32 @!p0 s3, s7;
	s7 =	simm.s32 @!p0 $0x108  }
0x21: {  	s3 =	sadd.s32 s3, s9;
	s6 =	sadd.s32 @!p0 $0x88, s6;
	s7 =	simm.s32 @p2 $0x1082  }
0x22: {  	[simem:s7], [sflag:s8] =	dma.local @!p0 [hbm:s6], $0xF7A  }
0x23: {  	s9 =	sor.u32 $0xD0000000, s2;
	s6 =	simm.s32 $0x108;
	_ =	swait.ge @!p0 [sflag:s8], $0x0  }
0x24: {  	s3 =	sadd.s32 $0x88, s3;
	s6 =	simm.s32 @!p1 $0x1082;
	[sflag:s4] =	ssyncset.s32 $0xFFFFF086  }
0x25: {  	[simem:s6], [sflag:s4] =	dma.local [hbm:s3], $0xF7A  }
0x26: {  	[smem:$0x3F9F] =	sst s1;
	(tag) =	ssettag s2;
	_ =	strace s9  }
0x27: {  	s1 =	sld [smem:$0x3FAF]  }
0x28: {  	s2 =	sld [smem:$0x3FB0]  }
0x29: {  	s4 =	sld [smem:$0x3FB2]  }
0x2a: {  	p0 =	seq.s32 s5, $0x0;
	s5 =	sld [smem:$0x3FB3]  }
0x2b: {  	s6 =	sld [smem:$0x3FB4]  }
0x2c: {  	s7 =	sld [smem:$0x3FB5]  }
0x2d: {  	s3 =	simm.s32 $0x108;
	s8 =	sld [smem:$0x3FB6]  }
0x2e: {  	s3 =	simm.s32 @!p0 $0x1082;
	s9 =	sld [smem:$0x3FB7]  }
0x2f: {  	lr =	sadd.s32 s0, s3;
	s0 =	sld [smem:$0x3FAE]  }
0x30: {  	s3 =	sld [smem:$0x3FB1]  }
0x31: {  	[smem:$0x3FBA] =	sst s10  }
0x32: {  	s10 =	sld [smem:$0x3FB8];
	_ =	sdelay $0x3  }
0x33: {  	p0 =	seq.s32 s10, $0x1;
	s10 =	sld [smem:$0x3FBA];
	_ =	sdelay $0x3  }
0x34: {  	[smem:$0x3FBA] =	sst s10  }
0x35: {  	s10 =	sld [smem:$0x3FB9];
	_ =	sdelay $0x3  }
0x36: {  	p1 =	seq.s32 s10, $0x1;
	s10 =	sld [smem:$0x3FBA];
	_ =	sdelay $0x3  }
0x37: {  	[smem:$0x3FBA] =	sst s10  }
0x38: {  	s10 =	sld [smem:$0x3FBB]  }
0x39: {  	_ = 	snop;
	(pc) =	sbr.ind lr, $3  }
0x3a: {  	_ = 	snop  }
0x3b: {  	_ = 	snop  }
0x3c: {  	p2 =	seq.s32 s10, $0x1;
	s10 =	sld [smem:$0x3FBA]  }
0x3d: {  	_ =	shalt  }
0x3e: {  	_ =	shalt  }
0x3f: {  	_ =	shalt  }
0x40: {  	_ =	shalt  }
0x41: {  	_ =	shalt  }
0x42: {  	_ =	shalt  }
0x43: {  	_ =	shalt  }
0x44: {  	_ =	shalt  }
0x45: {  	_ =	shalt  }
0x46: {  	_ =	shalt  }
0x47: {  	_ =	shalt  }
0x48: {  	_ =	shalt  }
0x49: {  	_ =	shalt  }
0x4a: {  	_ =	shalt  }
0x4b: {  	_ =	shalt  }
0x4c: {  	_ =	shalt  }
0x4d: {  	_ =	shalt  }
0x4e: {  	_ =	shalt  }
0x4f: {  	_ =	shalt  }
0x50: {  	_ =	shalt  }
0x51: {  	_ =	shalt  }
0x52: {  	_ =	shalt  }
0x53: {  	_ =	shalt  }
0x54: {  	_ =	shalt  }
0x55: {  	_ =	shalt  }
0x56: {  	_ =	shalt  }
0x57: {  	_ =	shalt  }
0x58: {  	_ =	shalt  }
0x59: {  	_ =	shalt  }
0x5a: {  	_ =	shalt  }
0x5b: {  	_ =	shalt  }
0x5c: {  	_ =	shalt  }
0x5d: {  	_ =	shalt  }
0x5e: {  	_ =	shalt  }
0x5f: {  	_ =	shalt  }
0x60: {  	_ =	shalt  }
0x61: {  	_ =	shalt  }
0x62: {  	_ =	shalt  }
0x63: {  	_ =	shalt  }
0x64: {  	_ =	shalt  }
0x65: {  	_ =	shalt  }
0x66: {  	_ =	shalt  }
0x67: {  	_ =	shalt  }
0x68: {  	_ =	shalt  }
0x69: {  	_ =	shalt  }
0x6a: {  	_ =	shalt  }
0x6b: {  	_ =	shalt  }
0x6c: {  	_ =	shalt  }
0x6d: {  	_ =	shalt  }
0x6e: {  	_ =	shalt  }
0x6f: {  	_ =	shalt  }
0x70: {  	_ =	shalt  }
0x71: {  	_ =	shalt  }
0x72: {  	_ =	shalt  }
0x73: {  	_ =	shalt  }
0x74: {  	_ =	shalt  }
0x75: {  	_ =	shalt  }
0x76: {  	_ =	shalt  }
0x77: {  	_ =	shalt  }
0x78: {  	_ =	shalt  }
0x79: {  	_ =	shalt  }
0x7a: {  	_ =	shalt  }
0x7b: {  	_ =	shalt  }
0x7c: {  	_ =	shalt  }
0x7d: {  	_ =	shalt  }
0x7e: {  	_ =	shalt  }
0x7f: {  	_ =	shalt  }
0x80: {  	_ =	shalt  }
0x81: {  	_ =	shalt  }
0x82: {  	_ =	shalt  }
0x83: {  	_ =	shalt  }
0x84: {  	_ =	shalt  }
0x85: {  	_ =	shalt  }
0x86: {  	_ =	shalt  }
0x87: {  	_ =	shalt  }
.Lfunc_end0:
.L_simem_size_0:
called_computation_lowered:
.L_overlay_start_0:
0x88: {  	s2 =	sld [smem:$0x3FD9]  }
0x89: {  	s3 =	sld [smem:$0x3FFE];
	_ =	sdelay $0x1  }
0x8a: {  	s1 =	srdreg.scid  }
0x8b: {  	s0 =	sand.u32 $0x1, s1  }
0x8c: {  	s16 =	sshll.u32 s0, $0xA;
	s2 =	sadd.s32 s3, s2  }
0x8d: {  	s2 =	sadd.s32 s2, s16  }
0x8e: {  	[smem:$0x3FC6] =	sst s2  }
0x8f: {  	_ = 	snop  }
0x90: {  	(tm) =	ssettm $0x1  }
0x91: {  	s17 =	sld [smem:$0x3FFB];
	_ =	sdelay $0x3  }
0x92: {  	_ =	strace s17  }
0x93: {  	s2 =	sld [smem:$0x3FFC];
	_ =	sdelay $0x3  }
0x94: {  	_ =	strace s2  }
0x95: {  	s2 =	sld [smem:$0x3FFD];
	_ =	sdelay $0x3  }
0x96: {  	_ =	strace s2  }
0x97: {  	_ =	strace $0x8FFFFFFF  }
0x98: {  	s18 =	sld [smem:$0x3FDB];
	_ =	sdelay $0x1  }
0x99: {  	s19 =	simm.s32 $_scs_section_size  }
0x9a: {  	s4 =	simm.s32 $_size__tile_overlayer_lowered;
	s5 =	simm.s32 $_tile_overlayer_lowered  }
0x9b: {  	s22 =	simm.s32 $0x1BFF;
	s21 =	sshll.u32 s5, $0x1;
	s2 =	sadd.s32 s19, s18  }
0x9c: {  	s6 =	simm.s32 $0x0;
	s20 =	sshll.u32 s4, $0x1;
	s4 =	sadd.s32 s21, s2  }
0x9d: {  	[timem:s6], [sflag:s22] =	dma.local [hbm:s4], s20  }
0x9e: {  	_ =	swait.ge [sflag:s22], s20  }
0x9f: {  	s3 =	ssub.s32 $0x0, s20;
	[sflag:s22] =	ssyncset.done $0x0  }
0xa0: {  	[sflag:s22] =	ssyncadd.s32 s3;
	_ =	sdelay $0x1  }
0xa1: {  	s23 =	simm.s32 $0x1B8B  }
0xa2: {  	_ =	swait.ge [sflag:s23], $0x1  }
0xa3: {  	[sflag:s23] =	ssyncset.done $0x0  }
0xa4: {  	s25 =	simm.s32 $0x1B8E;
	s24 =	sld [smem:$0x3FFE];
	[sflag:s23] =	ssyncadd.s32 $0xFFFFFFFF  }
0xa5: {  	s26 =	simm.s32 $execute0_lowered;
	[smem:$0x3FD2] =	sst s25  }
0xa6: {  	s4 =	sshll.u32 s26, $0x1;
	_ =	strace $0x80000046;
	[dreg:$0x1] =	wrdreg $0xFFFFFFFF  }
0xa7: {  	s28 =	simm.s32 $_size_execute0_lowered;
	s2 =	sadd.s32 s2, s4;
	[dreg:$0x0] =	wrdreg $0x0  }
0xa8: {  	s4 =	sshll.u32 s28, $0x1;
	[dreg:$0x2] =	wrdreg s2  }
0xa9: {  	[dreg:$0x3] =	wrdreg s4  }
0xaa: {  	[dreg:$0x4] =	wrdreg $0xC0  }
0xab: {  	_ =	task [dreg:s6], $0x5FFFF  }
0xac: {  	[dreg:$0x1] =	wrdreg $0xFFFFFFFF  }
0xad: {  	[dreg:$0x0] =	wrdreg $0x60  }
0xae: {  	[dreg:$0x2] =	wrdreg s24  }
0xaf: {  	[dreg:$0x3] =	wrdreg $0x9  }
0xb0: {  	_ =	task.clear_ibuf [dreg:s6], $0x4FFFF;
	_ =	strace $0x90000046  }
0xb1: {  	s29 =	simm.s32 $0x9;
	_ =	strace $0x80000048  }
0xb2: {  	_ =	swait.ge [sflag:s29], $0x1  }
0xb3: {  	[sflag:s29] =	ssyncadd.s32 $0xFFFFFFFF  }
0xb4: {  	_ =	strace $0x90000048  }
0xb5: {  	_ =	sfence  }
0xb6: {  	s30 =	sld [smem:$0x0];
	_ =	sdelay $0x2  }
0xb7: {  	s31 =	sshll.u32 s1, $0xD;
	s1 =	sshrl.u32 s1, $0x2  }
0xb8: {  	s3 =	sand.u32 $0x4000, s31;
	s1 =	sadd.s32 s1, s30  }
0xb9: {  	s0 =	sor.u32 s3, s0;
	s1 =	sshll.u32 s1, $0x11  }
0xba: {  	s0 =	sor.u32 s1, s0  }
0xbb: {  	s0 =	sadd.s32 $0x8F2B, s0  }
0xbc: {  	[sflag:s0] =	ssyncadd.remote.s32 $0x1  }
0xbd: {  	_ =	sfence.sel $0xFFFF  }
0xbe: {  	[dreg:$0x0] =	wrdreg $0xFFFFFFFF;
	(pc) =	sbr.abs _section_cstart, $3  }
0xbf: {  	[dreg:$0x1] =	wrdreg $0xFFFFFFFF  }
0xc0: {  	_ =	task.clear_ibuf [dreg:s6], $0x2FFFF;
	_ =	strace $0x9FFFFFFF  }
0xc1: {  	(tm) =	ssettm $0x7FFFFFFF  }
tec
execute0_lowered:
.L_overlay_start_1:
0x0: {  	(tag) =	ssettag $0x1  }
0x1: {  	s7 =	rddreg [dreg:$0x0]  }
0x2: {  	s0 =	rddreg [dreg:$0x1];
	_ =	strace $0x80000047  }
0x3: {  	s1 =	srdreg.scid;
	s4 =	simm.s32 $0x1;
	s9 =	simm.s32 $0x3  }
0x4: {  	s12 =	simm.s32 $0x0;
	s10 =	simm.s32 $0x0;
	s5 =	sshll.u32 s1, $0x4  }
.Ltmp0:
0x5: {  	s1 =	stileid.u32;
	s5 =	sand.u32 $0x10, s5;
	(pc) =	sbr.rel .LBB2_1-.Ltmp0, $4  }
0x6: {  	s2 =	sadd.s32 $0x600, s7;
	s3 =	sadd.s32 $0x400, s7;
	s6 =	sor.u32 s1, s5  }
0x7: {  	[sflag:s4] =	ssyncpa.u1 $0x0;
	s5 =	simm.s32 $0x2;
	s6 =	sshll.u32 s6, $0x7  }
0x8: {  	s7 =	sadd.s32 $0x4E800, s7;
	[sflag:s5] =	ssyncpa.u1 $0x0;
	s8 =	sadd.s32 $0x80, s6  }
0x9: {  	vm0 =	vmmov $0xff;
	vm1 =	vcmask $0x3F20;
	[sflag:s9] =	ssyncpa.u1 $0x0;
	s9 =	simm.s32 $0x80;
	s11 =	smov.u32 s6  }
.LBB2_9:
0xa: {  	p0 =	seq.s32 s10, $0x2  }
.Ltmp1:
0xb: {  	_ = 	snop;
	(pc) =	sbr.rel @p0 .LBB2_11-.Ltmp1, $1  }
0xc: {  	_ =	sdelay $0x3  }
.LBB2_10:
0xd: {  	s12 =	sadd.s32 $0x80, s11  }
0xe: {  	s13 =	smov.u32 s6;
	p0 =	slt.s32 s12, s8  }
0xf: {  	s13 =	smov.u32 @p0 s12  }
0x10: {  	s10 =	sadd.s32 $0x1, s10;
	s12 =	smov.u32 s11;
	s11 =	smov.u32 s13  }
.LBB2_1:
0x11: {  	p0 =	sne.s32 s10, $0x0  }
.Ltmp2:
0x12: {  	_ = 	snop;
	(pc) =	sbr.rel @!p0 .LBB2_2-.Ltmp2, $1  }
0x13: {  	_ =	sdelay $0x3  }
0x14: {  	s13 =	sand.u32 $0x1, s10  }
0x15: {  	p0 =	seq.s32 s13, $0x0  }
.Ltmp3:
0x16: {  	_ = 	snop;
	(pc) =	sbr.rel @p0 .LBB2_9-.Ltmp3, $1  }
0x17: {  	_ =	sdelay $0x3  }
0x18: {  	_ =	swait.ge [sflag:s5], $0x80  }
0x19: {  	[sflag:s5] =	ssyncset.done $0x0  }
0x1a: {  	s13 =	simm.s32 $0x0;
	[sflag:s5] =	ssyncadd.s32 $0xFFFFFF80  }
0x1b: {  	v0 =	vld.msk [tilespmem:s13+$0x80 ss:$0x1], $0xffff;
	_ =	sdelay $0x4  }
0x1c: {  	vm2 =	vgt.s32 v0, $0x0  }
0x1d: {  	v0 =	vnsel vm2, $0x0, v0  }
0x1e: {  	v0 =	vmin.u32 v0, $0x4E1F  }
0x1f: {  	v0 =	vshll.u32 v0, $0x4;
	_ =	sdelay $0x3  }
0x20: {  	s13 =	simm.s32 $0x4100  }
0x21: {  	[tilespmem:s13], [sflag:$0x1] =	stream.indirect_vreg.gather [hbm:s2], $0x80, v0, vm0, $0x38;
	[tilespmem:$0x8100] =	vst v63  }
0x22: {  	s14 =	simm.s32 $0x4500;
	s31 =	simm.s32 $0x10  }
0x23: {  	[tilespmem:s14], [sflag:$0x1] =	stream.indirect_vreg.gather [hbm:s2], $0x80, v0, vm1, $0x38;
	[tilespmem:$0x8100] =	vst v63  }
0x24: {  	s14 =	simm.s32 $0x80;
	v0 =	vld.msk [tilespmem:s31+$0x80 ss:$0x1], $0xffff  }
.LBB2_5:
0x25: {  	p0 =	sne.s32 s14, $0x1C0;
	_ =	sdelay $0x4  }
0x26: {  	vm2 =	vgt.s32 v0, $0x0  }
0x27: {  	v0 =	vnsel vm2, $0x0, v0  }
0x28: {  	v0 =	vmin.u32 v0, $0x4E1F  }
0x29: {  	v0 =	vshll.u32 v0, $0x4;
	_ =	sdelay $0x3  }
.Ltmp4:
0x2a: {  	s13 =	sadd.s32 $0x800, s13;
	(pc) =	sbr.rel @p0 .LBB2_5-.Ltmp4, $4  }
0x2b: {  	[tilespmem:s13], [sflag:$0x1] =	stream.indirect_vreg.gather [hbm:s2], $0x80, v0, vm0, $0x38;
	[tilespmem:$0x8100] =	vst v63  }
0x2c: {  	s15 =	sshra.s32 s14, $0x2;
	s16 =	sadd.s32 $0x400, s13  }
0x2d: {  	[tilespmem:s16], [sflag:$0x1] =	stream.indirect_vreg.gather [hbm:s2], $0x80, v0, vm1, $0x38;
	[tilespmem:$0x8100] =	vst v63  }
0x2e: {  	s14 =	sadd.s32 $0x40, s14;
	v0 =	vld.msk [tilespmem:s15+$0x80 ss:$0x1], $0xffff  }
0x2f: {  	_ =	sdelay $0x3  }
0x30: {  	vm2 =	vgt.s32 v0, $0x0  }
0x31: {  	v0 =	vnsel vm2, $0x0, v0  }
0x32: {  	v0 =	vmin.u32 v0, $0x4E1F  }
0x33: {  	v0 =	vshll.u32 v0, $0x4;
	_ =	sdelay $0x3  }
0x34: {  	s13 =	sadd.s32 $0x800, s13  }
0x35: {  	[tilespmem:s13], [sflag:$0x1] =	stream.indirect_vreg.gather [hbm:s2], $0x80, v0, vm0, $0x38;
	[tilespmem:$0x8100] =	vst v63  }
0x36: {  	s13 =	sadd.s32 $0x400, s13  }
0x37: {  	[tilespmem:s13], [sflag:$0x1] =	stream.indirect_vreg.gather [hbm:s2], $0x80, v0, vm1, $0x38;
	[tilespmem:$0x8100] =	vst v63  }
0x38: {  	s12 =	sshll.u32 s12, $0x4;
	s14 =	simm.s32 $0x80;
	_ =	swait.ge [sflag:s4], $0x4000  }
0x39: {  	s15 =	simm.s32 $0x4500;
	s12 =	sadd.s32 s12, s7;
	[sflag:s4] =	ssyncset.done $0x0  }
0x3a: {  	s16 =	sadd.s32 $0x0, s12;
	s13 =	simm.s32 $0x4100;
	[sflag:s4] =	ssyncadd.s32 $0xFFFFC000  }
.LBB2_7:
0x3b: {  	[hbm:s16] =	stream.linear.scatter [tilespmem:s13], [sflag:$0x3], $0x400, $0x38;
	[tilespmem:$0x8100] =	vst v63  }
0x3c: {  	s16 =	smov.u32 s14;
	s13 =	smov.u32 s15;
	p0 =	sne.s32 s14, $0x780  }
.Ltmp5:
0x3d: {  	s14 =	sadd.s32 $0x80, s14;
	(pc) =	sbr.rel @p0 .LBB2_7-.Ltmp5, $2  }
0x3e: {  	_ =	sdelay $0x2  }
0x3f: {  	s15 =	sadd.s32 $0x400, s15;
	s16 =	sadd.s32 s16, s12  }
.Ltmp6:
0x40: {  	(pc) =	sbr.rel .LBB2_9-.Ltmp6, $2  }
0x41: {  	_ =	sdelay $0x2  }
0x42: {  	[hbm:s16] =	stream.linear.scatter [tilespmem:s13], [sflag:$0x3], $0x400, $0x38;
	[tilespmem:$0x8100] =	vst v63  }
.LBB2_2:
.Ltmp7:
0x43: {  	(pc) =	sbr.rel .LBB2_10-.Ltmp7, $4  }
0x44: {  	_ = 	snop  }
0x45: {  	s12 =	sshrl.u32 s11, $0x3  }
0x46: {  	s13 =	sand.u32 $0x7, s11;
	s12 =	sadd.s32 s3, s12  }
0x47: {  	[tilespmem:s9], [sflag:$0x2] =	stream.linear.gather [hbm4b:s12+s13], $0x80, $0x38;
	[tilespmem:$0x8100] =	vst v63  }
.LBB2_11:
0x48: {  	s2 =	simm.s32 $0x3  }
0x49: {  	_ =	swait.ge [sflag:s2], $0x4000  }
0x4a: {  	[sflag:s2] =	ssyncset.done $0x0  }
0x4b: {  	[sflag:s2] =	ssyncadd.s32 $0xFFFFC000  }
0x4c: {  	_ =	sfence.sel $0x180000  }
0x4d: {  	s3 =	simm.s32 $0x2;
	[bflag:$0x0] =	sbarrier.arrive $0xFFFF  }
0x4e: {  	[sflag:s3] =	ssyncpa.u1 $0x1  }
0x4f: {  	s31 =	simm.s32 $0x1;
	[sflag:s2] =	ssyncpa.u1 $0x1  }
0x50: {  	[sflag:s31] =	ssyncpa.u1 $0x1  }
0x51: {  	p0 =	sne.s32 s1, $0x0;
	_ =	strace $0x90000047  }
0x52: {  	s0 =	sadd.s32 @!p0 $0x100000, s0;
	[bflag:$0x2] =	sbarrier.arrive $0xFFFF  }
0x53: {  	[sflag:s0] =	ssyncadd.tile.s32 @!p0 $0x1;
	_ =	shalt  }
.Lfunc_end2:
_tile_overlayer_lowered:
.L_overlay_start_2:
0x54: {  	(tag) =	ssettag $0x2  }
0x55: {  	s0 =	rddreg [dreg:$0x0];
	s2 =	stileid.u32  }
0x56: {  	s1 =	rddreg [dreg:$0x1];
	p0 =	sne.s32 s2, $0x0  }
0x57: {  	s3 =	rddreg [dreg:$0x2];
	[bflag:$0x3] =	sbarrier.arrive $0xFFFF;
	s2 =	simm.s32 @!p0 $0x1C01  }
0x58: {  	[timem:s3], [sflag:s2] =	dma.local @!p0 [hbm:s0], s1  }
0x59: {  	s0 =	simm.s32 @!p0 $0x1  }
0x5a: {  	_ =	swait.ge @!p0 [sflag:s0], s1  }
0x5b: {  	s1 =	ssub.s32 @!p0 $0x0, s1;
	[sflag:s0] =	ssyncset.done @!p0 $0x0  }
0x5c: {  	[sflag:s0] =	ssyncadd.s32 @!p0 s1  }
0x5d: {  	[bflag:$0x3] =	sbarrier.arrive $0xFFFF  }
0x5e: {  	_ =	shalt  }

</sc_bundles>
